<compile_context>
chip_gen: v7x
topology: tpu7x:2x2x1
jax: 0.10.2.dev20260603
libtpu: 0.0.44.dev20260713+nightly
codegen_flags: <defaults>
</compile_context>

<pallas_src>
import functools

import jax
import jax.numpy as jnp
from jax import lax
from jax.experimental import pallas as pl
from jax.experimental.pallas import tpu as pltpu
from jax.experimental.pallas import tpu_sc as plsc

N = 10000
NPAD = 10240
E = 320000
CH = 128
EPAD = 80 * 4096
NCH_COL = EPAD // (16 * CH)
NCH_EDGE = EPAD // (32 * CH)
NIB = 8
ROWS_PT = NPAD // 16

_MESH = plsc.VectorSubcoreMesh(core_axis_name="c", subcore_axis_name="s")
_SC_PARAMS = pltpu.CompilerParams(needs_layout_passes=False)


def _deg_body(dst_hbm, hist_out, idx_v, hist_v):
    c = lax.axis_index("c")
    s = lax.axis_index("s")
    wid = c * 16 + s

    zero16 = jnp.zeros((16,), jnp.float32)

    def zf(i, _):
        hist_v[pl.ds(i * 16, 16)] = zero16
        return 0

    lax.fori_loop(0, NPAD // 16, zf, 0)

    ones16 = jnp.ones((16,), jnp.float32)
    epw = E // 32
    chunk = 2000

    def outer(k, _):
        pltpu.sync_copy(dst_hbm.at[pl.ds(wid * epw + k * chunk, chunk)], idx_v)

        def inner(j, _):
            iv = idx_v[pl.ds(j * 16, 16)]
            plsc.addupdate_scatter(hist_v, [iv], ones16)
            return 0

        lax.fori_loop(0, chunk // 16, inner, 0)
        return 0

    lax.fori_loop(0, epw // chunk, outer, 0)
    pltpu.sync_copy(hist_v, hist_out.at[wid])


@jax.jit
def _deg(dst_i32):
    return pl.kernel(
        _deg_body,
        out_type=jax.ShapeDtypeStruct((32, NPAD), jnp.float32),
        mesh=_MESH,
        scratch_types=[
            pltpu.VMEM((2000,), jnp.int32),
            pltpu.VMEM((NPAD,), jnp.float32),
        ],
        compiler_params=_SC_PARAMS,
    )(dst_i32)


def _zero_acc(zeros_hbm, acc, s):
    pltpu.sync_copy(zeros_hbm.at[pl.ds(s * ROWS_PT, ROWS_PT)],
                    acc.at[pl.ds(s * ROWS_PT, ROWS_PT)])
    plsc.subcore_barrier()


def _edge_loop(src2_hbm, dst2_hbm, g_hbm, acc, idx_s, idx_d, rows_v, sems,
               chunk_base, n_chunks, nib):
    si = sems[0:2]
    sg = sems[2:4]
    ss = sems[4:6]
    nblk = n_chunks // nib

    pltpu.async_copy(src2_hbm.at[pl.ds(chunk_base, nib)],
                     idx_s.at[0].at[pl.ds(0, nib)], si[0])
    pltpu.async_copy(dst2_hbm.at[pl.ds(chunk_base, nib)],
                     idx_d.at[0].at[pl.ds(0, nib)], si[0])

    def do_block(p, cur):
        nb = p * 2 + cur
        blk = chunk_base + nb * nib
        pltpu.make_async_copy(src2_hbm.at[pl.ds(blk, nib)],
                              idx_s.at[cur].at[pl.ds(0, nib)], si[cur]).wait()
        pltpu.make_async_copy(dst2_hbm.at[pl.ds(blk, nib)],
                              idx_d.at[cur].at[pl.ds(0, nib)], si[cur]).wait()

        @pl.when(nb + 1 < nblk)
        def _():
            pltpu.async_copy(src2_hbm.at[pl.ds(blk + nib, nib)],
                             idx_s.at[1 - cur].at[pl.ds(0, nib)],
                             si[1 - cur])
            pltpu.async_copy(dst2_hbm.at[pl.ds(blk + nib, nib)],
                             idx_d.at[1 - cur].at[pl.ds(0, nib)],
                             si[1 - cur])

        pltpu.async_copy(g_hbm.at[idx_s.at[cur].at[0]], rows_v.at[0], sg[0])
        pltpu.async_copy(g_hbm.at[idx_s.at[cur].at[1]], rows_v.at[1], sg[1])
        for j in range(nib):
            b = j & 1
            pltpu.make_async_copy(g_hbm.at[idx_s.at[cur].at[j]],
                                  rows_v.at[b], sg[b]).wait()
            pltpu.async_copy(rows_v.at[b], acc.at[idx_d.at[cur].at[j]],
                             ss[b], add=True)
            if j + 2 < nib:
                pltpu.make_async_copy(rows_v.at[b],
                                      acc.at[idx_d.at[cur].at[j]],
                                      ss[b]).wait()
                pltpu.async_copy(g_hbm.at[idx_s.at[cur].at[j + 2]],
                                 rows_v.at[b], sg[b])
        for j in (nib - 2, nib - 1):
            b = j & 1
            pltpu.make_async_copy(rows_v.at[b],
                                  acc.at[idx_d.at[cur].at[j]], ss[b]).wait()

    def pair(p, _):
        do_block(p, 0)
        do_block(p, 1)
        return 0

    lax.fori_loop(0, nblk // 2, pair, 0)


def _msg_col_body(src2_hbm, dst2_hbm, glo_hbm, ghi_hbm, zeros_hbm,
                  slo_hbm, shi_hbm, idx_s, idx_d, rows_v, acc, *sems):
    c = lax.axis_index("c")
    s = lax.axis_index("s")
    _zero_acc(zeros_hbm, acc, s)

    @pl.when(c == 0)
    def _():
        _edge_loop(src2_hbm, dst2_hbm, glo_hbm, acc, idx_s, idx_d, rows_v,
                   sems, s * NCH_COL, NCH_COL, 16)

    @pl.when(c == 1)
    def _():
        _edge_loop(src2_hbm, dst2_hbm, ghi_hbm, acc, idx_s, idx_d, rows_v,
                   sems, s * NCH_COL, NCH_COL, 16)

    plsc.subcore_barrier()
    sl = pl.ds(s * ROWS_PT, ROWS_PT)

    @pl.when(c == 0)
    def _():
        pltpu.sync_copy(acc.at[sl], slo_hbm.at[sl])

    @pl.when(c == 1)
    def _():
        pltpu.sync_copy(acc.at[sl], shi_hbm.at[sl])


def _msg_edge_body(src2_hbm, dst2_hbm, g_hbm, zeros_hbm,
                   sa_hbm, sb_hbm, idx_s, idx_d, rows_v, acc, *sems):
    c = lax.axis_index("c")
    s = lax.axis_index("s")
    _zero_acc(zeros_hbm, acc, s)
    _edge_loop(src2_hbm, dst2_hbm, g_hbm, acc, idx_s, idx_d, rows_v,
               sems, (c * 16 + s) * NCH_EDGE, NCH_EDGE, 8)
    plsc.subcore_barrier()
    sl = pl.ds(s * ROWS_PT, ROWS_PT)

    @pl.when(c == 0)
    def _():
        pltpu.sync_copy(acc.at[sl], sa_hbm.at[sl])

    @pl.when(c == 1)
    def _():
        pltpu.sync_copy(acc.at[sl], sb_hbm.at[sl])


_OT128 = jax.ShapeDtypeStruct((NPAD, 128), jnp.float32)
_MSG_SCRATCH = [
    pltpu.VMEM((2, 16, CH), jnp.int32),
    pltpu.VMEM((2, 16, CH), jnp.int32),
    pltpu.VMEM((2, CH, 128), jnp.float32),
    pltpu.VMEM_SHARED((NPAD, 128), jnp.float32),
] + [pltpu.SemaphoreType.DMA] * 6


@jax.jit
def _msg_col(src_p, dst_p, glo, ghi, zeros):
    return pl.kernel(
        _msg_col_body,
        out_type=(_OT128, _OT128),
        mesh=_MESH,
        scratch_types=_MSG_SCRATCH,
        compiler_params=_SC_PARAMS,
    )(src_p, dst_p, glo, ghi, zeros)


@jax.jit
def _msg_edge(src_p, dst_p, g, zeros):
    return pl.kernel(
        _msg_edge_body,
        out_type=(_OT128, _OT128),
        mesh=_MESH,
        scratch_types=_MSG_SCRATCH,
        compiler_params=_SC_PARAMS,
    )(src_p, dst_p, g, zeros)


_MB = 640
_GRID = NPAD // _MB


def _tc1_body(hist_ref, x_ref, w_ref, glo_ref, ghi_ref, dinv_ref):
    pid = pl.program_id(0)
    deg = jnp.sum(hist_ref[...], axis=0) + 1.0
    rid = lax.broadcasted_iota(jnp.int32, (_MB,), 0) + pid * _MB
    dinv = jnp.where(rid < N, lax.rsqrt(deg), 0.0)
    h = jnp.dot(x_ref[...], w_ref[...], preferred_element_type=jnp.float32)
    g = h * dinv[:, None]
    glo_ref[...] = g[:, :128]
    ghi_ref[...] = g[:, 128:]
    dinv_ref[...] = dinv[:, None]


@jax.jit
def _tc1(hist, x_pad, w1):
    return pl.pallas_call(
        _tc1_body,
        grid=(_GRID,),
        in_specs=[
            pl.BlockSpec((32, _MB), lambda i: (0, i)),
            pl.BlockSpec((_MB, 128), lambda i: (i, 0)),
            pl.BlockSpec((128, 256), lambda i: (0, 0)),
        ],
        out_specs=[
            pl.BlockSpec((_MB, 128), lambda i: (i, 0)),
            pl.BlockSpec((_MB, 128), lambda i: (i, 0)),
            pl.BlockSpec((_MB, 1), lambda i: (i, 0)),
        ],
        out_shape=[_OT128, _OT128,
                   jax.ShapeDtypeStruct((NPAD, 1), jnp.float32)],
    )(hist, x_pad, w1)


def _tc_cat_body(relu, slo_ref, shi_ref, glo_ref, ghi_ref, dinv_ref, b_ref,
                 w_ref, o_ref):
    sg = jnp.concatenate([slo_ref[...] + glo_ref[...],
                          shi_ref[...] + ghi_ref[...]], axis=1)
    dinv = dinv_ref[...]
    a = dinv * sg + b_ref[...][None, :]
    if relu:
        a = jnp.maximum(a, 0.0)
    h = jnp.dot(a, w_ref[...], preferred_element_type=jnp.float32)
    g = h * dinv
    if g.shape[1] < 128:
        g = jnp.concatenate(
            [g, jnp.zeros((_MB, 128 - g.shape[1]), jnp.float32)], axis=1)
    o_ref[...] = g


@functools.partial(jax.jit, static_argnums=(7,))
def _tc_cat(slo, shi, glo, ghi, dinv, b, w, relu):
    din, dout = w.shape
    return pl.pallas_call(
        functools.partial(_tc_cat_body, relu),
        grid=(_GRID,),
        in_specs=[
            pl.BlockSpec((_MB, 128), lambda i: (i, 0)),
            pl.BlockSpec((_MB, 128), lambda i: (i, 0)),
            pl.BlockSpec((_MB, 128), lambda i: (i, 0)),
            pl.BlockSpec((_MB, 128), lambda i: (i, 0)),
            pl.BlockSpec((_MB, 1), lambda i: (i, 0)),
            pl.BlockSpec((din,), lambda i: (0,)),
            pl.BlockSpec((din, dout), lambda i: (0, 0)),
        ],
        out_specs=pl.BlockSpec((_MB, 128), lambda i: (i, 0)),
        out_shape=_OT128,
    )(slo, shi, glo, ghi, dinv, b, w)


def _tc_sum_body(relu, sa_ref, sb_ref, g_ref, dinv_ref, b_ref, w_ref,
                 olo_ref, ohi_ref):
    sg = sa_ref[...] + sb_ref[...] + g_ref[...]
    dinv = dinv_ref[...]
    a = dinv * sg + b_ref[...][None, :]
    if relu:
        a = jnp.maximum(a, 0.0)
    h = jnp.dot(a, w_ref[...], preferred_element_type=jnp.float32)
    g = h * dinv
    olo_ref[...] = g[:, :128]
    ohi_ref[...] = g[:, 128:]


@functools.partial(jax.jit, static_argnums=(6,))
def _tc_sum(sa, sb, g, dinv, b, w, relu):
    return pl.pallas_call(
        functools.partial(_tc_sum_body, relu),
        grid=(_GRID,),
        in_specs=[
            pl.BlockSpec((_MB, 128), lambda i: (i, 0)),
            pl.BlockSpec((_MB, 128), lambda i: (i, 0)),
            pl.BlockSpec((_MB, 128), lambda i: (i, 0)),
            pl.BlockSpec((_MB, 1), lambda i: (i, 0)),
            pl.BlockSpec((128,), lambda i: (0,)),
            pl.BlockSpec((128, 256), lambda i: (0, 0)),
        ],
        out_specs=[
            pl.BlockSpec((_MB, 128), lambda i: (i, 0)),
            pl.BlockSpec((_MB, 128), lambda i: (i, 0)),
        ],
        out_shape=[_OT128, _OT128],
    )(sa, sb, g, dinv, b, w)


def _tc_fin_body(sa_ref, sb_ref, g_ref, dinv_ref, b_ref, o_ref):
    o_ref[...] = (dinv_ref[...] * (sa_ref[...] + sb_ref[...] + g_ref[...])
                  + b_ref[...][None, :])


@jax.jit
def _tc_fin(sa, sb, g, dinv, b):
    return pl.pallas_call(
        _tc_fin_body,
        grid=(_GRID,),
        in_specs=[
            pl.BlockSpec((_MB, 128), lambda i: (i, 0)),
            pl.BlockSpec((_MB, 128), lambda i: (i, 0)),
            pl.BlockSpec((_MB, 128), lambda i: (i, 0)),
            pl.BlockSpec((_MB, 1), lambda i: (i, 0)),
            pl.BlockSpec((128,), lambda i: (0,)),
        ],
        out_specs=pl.BlockSpec((_MB, 128), lambda i: (i, 0)),
        out_shape=_OT128,
    )(sa, sb, g, dinv, b)


def kernel(x, edge_index, W1, b1, W2, b2, W3, b3, W4, b4):
    src = edge_index[0].astype(jnp.int32)
    dst = edge_index[1].astype(jnp.int32)
    padi = jnp.full((EPAD - E,), N, jnp.int32)
    src_p = jnp.concatenate([src, padi]).reshape(EPAD // CH, CH)
    dst_p = jnp.concatenate([dst, padi]).reshape(EPAD // CH, CH)
    x_pad = jnp.zeros((NPAD, 128), jnp.float32).at[:N].set(x)
    z128 = jnp.zeros((NPAD, 128), jnp.float32)
    b2p = jnp.concatenate([b2, jnp.zeros((64,), jnp.float32)])
    W3p = jnp.concatenate([W3, jnp.zeros((64, 256), jnp.float32)], axis=0)

    hist = _deg(dst)
    g1lo, g1hi, dinv = _tc1(hist, x_pad, W1)
    s1lo, s1hi = _msg_col(src_p, dst_p, g1lo, g1hi, z128)
    g2 = _tc_cat(s1lo, s1hi, g1lo, g1hi, dinv, b1, W2, True)
    s2a, s2b = _msg_edge(src_p, dst_p, g2, z128)
    g3lo, g3hi = _tc_sum(s2a, s2b, g2, dinv, b2p, W3p, False)
    s3lo, s3hi = _msg_col(src_p, dst_p, g3lo, g3hi, z128)
    g4 = _tc_cat(s3lo, s3hi, g3lo, g3hi, dinv, b3, W4, True)
    s4a, s4b = _msg_edge(src_p, dst_p, g4, z128)
    xr = _tc_fin(s4a, s4b, g4, dinv, b4)
    return xr[:N]

# --- scband reference (transcript-rebuilt; emitter-appended) ---
"""Pipeline reference for scband-graph-auto-encoder-180388627137 (READ-ONLY COPY).

The authoritative reference and input builder live on the scoring server;
editing this copy changes nothing except your own understanding.
"""

import jax, jax.numpy as jnp
import numpy as np

N_NODES = 10000
N_EDGES = 320000
IN_DIM = 128
HID_DIM = 256
LAT_DIM = 64


def glorot(key, shape):
    fan_in, fan_out = shape
    lim = jnp.sqrt(6.0 / (fan_in + fan_out))
    return jax.random.uniform(key, shape, minval=-lim, maxval=lim, dtype=jnp.float32)


def setup_inputs(seed: int = 0) -> dict:
    key = jax.random.key(seed)
    ks = jax.random.split(key, 10)
    x = jax.random.normal(ks[0], (N_NODES, IN_DIM), dtype=jnp.float32)
    edge_index = jax.random.randint(ks[1], (2, N_EDGES), 0, N_NODES, dtype=jnp.int64)
    W1 = glorot(ks[2], (IN_DIM, HID_DIM)); b1 = jnp.zeros((HID_DIM,), jnp.float32)
    W2 = glorot(ks[3], (HID_DIM, LAT_DIM)); b2 = jnp.zeros((LAT_DIM,), jnp.float32)
    W3 = glorot(ks[4], (LAT_DIM, HID_DIM)); b3 = jnp.zeros((HID_DIM,), jnp.float32)
    W4 = glorot(ks[5], (HID_DIM, IN_DIM)); b4 = jnp.zeros((IN_DIM,), jnp.float32)
    return {"x": x, "edge_index": edge_index, "W1": W1, "b1": b1, "W2": W2, "b2": b2, "W3": W3, "b3": b3, "W4": W4, "b4": b4}


def gcn_conv(x, src, dst, W, b):
    # PyG GCNConv with add_self_loops=True, normalize=True (symmetric norm)
    n = x.shape[0]
    loop = jnp.arange(n, dtype=src.dtype)
    s = jnp.concatenate([src, loop])
    d = jnp.concatenate([dst, loop])
    deg = jnp.zeros((n,), jnp.float32).at[d].add(1.0)
    dinv = jnp.where(deg > 0, 1.0 / jnp.sqrt(deg), 0.0)
    norm = dinv[s] * dinv[d]
    h = x @ W
    msg = h[s] * norm[:, None]
    out = jnp.zeros((n, W.shape[1]), jnp.float32).at[d].add(msg)
    return out + b


def reference(x, edge_index, W1, b1, W2, b2, W3, b3, W4, b4):
    src, dst = edge_index[0], edge_index[1]
    # encode (dropout is identity in eval)
    h = gcn_conv(x, src, dst, W1, b1)
    h = jax.nn.relu(h)
    z = gcn_conv(h, src, dst, W2, b2)
    # decode
    h = gcn_conv(z, src, dst, W3, b3)
    h = jax.nn.relu(h)
    x_recon = gcn_conv(h, src, dst, W4, b4)
    return x_recon

if __name__ == "__main__":
    import jax
    _d = setup_inputs()
    print(jax.jit(kernel)(*tuple(_d.values())))

</pallas_src>

<mosaic_0001>
#map = affine_map<(d0, d1) -> (0)>
#map1 = affine_map<(d0, d1) -> (0, 0)>
module attributes {stable_mosaic.version = 14 : i64} {
  func.func @_deg_body(%arg0: i32, %arg1: i32, %arg2: memref<320000xi32, #tpu.memory_space<hbm>>, %arg3: memref<32x10240xf32, #tpu.memory_space<hbm>>, %arg4: memref<2000xi32, #tpu.memory_space<vmem>>, %arg5: memref<10240xf32, #tpu.memory_space<vmem>>) attributes {dimension_semantics = [#tpu.dimension_semantics<core_parallel>, #tpu.dimension_semantics<subcore_parallel>], iteration_bounds = array<i64: 2, 16>, scalar_prefetch = 0 : i64, scratch_operands = 2 : i64, tpu.core_type = #tpu.core_type<sc_vector_subcore>, window_params = [{transform_indices = #map}, {transform_indices = #map1}]} {
    %mul3A = arith.constant 16 : i32
    %mul3A_0 = arith.muli %arg0, %mul3A : i32
    %add3A = arith.addi %mul3A_0, %arg1 : i32
    %broadcast_in_dim3A = arith.constant 0.000000e+00 : f32
    %broadcast_in_dim3A_1 = vector.broadcast %broadcast_in_dim3A : f32 to vector<16xf32>
    %scan3A = arith.constant 0 : i32
    %scan3A_2 = arith.constant 0 : i32
    %scan3A_3 = arith.constant 640 : i32
    %scan3A_4 = arith.addi %scan3A_2, %scan3A_3 : i32
    %scan3A_5 = arith.constant 1 : i32
    %scan3A_6 = scf.for %scan3A_17 = %scan3A_2 to %scan3A_4 step %scan3A_5 iter_args(%scan3A_18 = %scan3A) -> (i32)  : i32 {
      %mul3A_19 = arith.constant 16 : i32
      %mul3A_20 = arith.muli %scan3A_17, %mul3A_19 : i32
      %swap3A = arith.index_cast %mul3A_20 : i32 to index
      %swap3A_21 = tpu.vector_load %arg5[%swap3A] {strides = array<i32>} : memref<10240xf32, #tpu.memory_space<vmem>>, vector<16xf32>,
      tpu.vector_store %arg5[%swap3A], %broadcast_in_dim3A_1 {strides = array<i32>} : memref<10240xf32, #tpu.memory_space<vmem>>, vector<16xf32>,
      %scan3A_22 = arith.constant 0 : i32
      scf.yield %scan3A_22 : i32
    }
    %scan3A_7 = arith.constant 640 : i32
    %broadcast_in_dim3A_8 = arith.constant 1.000000e+00 : f32
    %broadcast_in_dim3A_9 = vector.broadcast %broadcast_in_dim3A_8 : f32 to vector<16xf32>
    %scan3A_10 = arith.constant 0 : i32
    %scan3A_11 = arith.constant 0 : i32
    %scan3A_12 = arith.constant 5 : i32
    %scan3A_13 = arith.addi %scan3A_11, %scan3A_12 : i32
    %scan3A_14 = arith.constant 1 : i32
    %scan3A_15 = scf.for %scan3A_17 = %scan3A_11 to %scan3A_13 step %scan3A_14 iter_args(%scan3A_18 = %scan3A_10) -> (i32)  : i32 {
      %mul3A_19 = arith.constant 10000 : i32
      %mul3A_20 = arith.muli %add3A, %mul3A_19 : i32
      %mul3A_21 = arith.constant 2000 : i32
      %mul3A_22 = arith.muli %scan3A_17, %mul3A_21 : i32
      %add3A_23 = arith.addi %mul3A_20, %mul3A_22 : i32
      "tpu.region"() ({
        %run_scoped3A = tpu.sem_alloc : memref<!tpu.dma_semaphore, #tpu.memory_space<semaphore_mem>>
        %dma_start3A = tpu.memref_slice %arg2[%add3A_23] : memref<320000xi32, #tpu.memory_space<hbm>> -> memref<2000xi32, #tpu.memory_space<hbm>>
        %dma_start3A_32 = tpu.memref_slice %arg2[%add3A_23] : memref<320000xi32, #tpu.memory_space<hbm>> -> memref<2000xi32, #tpu.memory_space<hbm>>
        tpu.enqueue_dma source(%dma_start3A_32 : memref<2000xi32, #tpu.memory_space<hbm>>) target(%arg4 : memref<2000xi32, #tpu.memory_space<vmem>>) target_semaphore(%run_scoped3A : memref<!tpu.dma_semaphore, #tpu.memory_space<semaphore_mem>>)
        %dma_wait3A = tpu.memref_slice %arg2[%add3A_23] : memref<320000xi32, #tpu.memory_space<hbm>> -> memref<2000xi32, #tpu.memory_space<hbm>>
        %dma_wait3A_33 = tpu.memref_slice %arg2[%add3A_23] : memref<320000xi32, #tpu.memory_space<hbm>> -> memref<2000xi32, #tpu.memory_space<hbm>>
        tpu.wait_dma2 semaphore(%run_scoped3A : memref<!tpu.dma_semaphore, #tpu.memory_space<semaphore_mem>>) src(%dma_wait3A_33 : memref<2000xi32, #tpu.memory_space<hbm>>) dst(%arg4 : memref<2000xi32, #tpu.memory_space<vmem>>)
        tpu.yield
      }) : () -> ()
      %scan3A_24 = arith.constant 0 : i32
      %scan3A_25 = arith.constant 0 : i32
      %scan3A_26 = arith.constant 125 : i32
      %scan3A_27 = arith.addi %scan3A_25, %scan3A_26 : i32
      %scan3A_28 = arith.constant 1 : i32
      %scan3A_29 = scf.for %scan3A_32 = %scan3A_25 to %scan3A_27 step %scan3A_28 iter_args(%scan3A_33 = %scan3A_24) -> (i32)  : i32 {
        %mul3A_34 = arith.constant 16 : i32
        %mul3A_35 = arith.muli %scan3A_32, %mul3A_34 : i32
        %get3A = arith.index_cast %mul3A_35 : i32 to index
        %get3A_36 = tpu.vector_load %arg4[%get3A] {strides = array<i32>} : memref<2000xi32, #tpu.memory_space<vmem>>, vector<16xi32>,
        tpu.vector_store_idx %arg5[%get3A_36], %broadcast_in_dim3A_9 {add = true} : memref<10240xf32, #tpu.memory_space<vmem>>[vector<16xi32>], vector<16xf32>,
        %scan3A_37 = arith.constant 0 : i32
        scf.yield %scan3A_37 : i32
      }
      %scan3A_30 = arith.constant 125 : i32
      %scan3A_31 = arith.constant 0 : i32
      scf.yield %scan3A_31 : i32
    }
    %scan3A_16 = arith.constant 5 : i32
    "tpu.region"() ({
      %run_scoped3A = tpu.sem_alloc : memref<!tpu.dma_semaphore, #tpu.memory_space<semaphore_mem>>
      %dma_start3A = arith.constant 0 : i32
      %dma_start3A_17 = tpu.memref_slice %arg3[%add3A, %dma_start3A] : memref<32x10240xf32, #tpu.memory_space<hbm>> -> memref<1x10240xf32, #tpu.memory_space<hbm>>
      %dma_start3A_18 = tpu.memref_squeeze %dma_start3A_17 : memref<1x10240xf32, #tpu.memory_space<hbm>> -> memref<10240xf32, #tpu.memory_space<hbm>>
      %dma_start3A_19 = arith.constant 0 : i32
      %dma_start3A_20 = tpu.memref_slice %arg3[%add3A, %dma_start3A_19] : memref<32x10240xf32, #tpu.memory_space<hbm>> -> memref<1x10240xf32, #tpu.memory_space<hbm>>
      %dma_start3A_21 = tpu.memref_squeeze %dma_start3A_20 : memref<1x10240xf32, #tpu.memory_space<hbm>> -> memref<10240xf32, #tpu.memory_space<hbm>>
      tpu.enqueue_dma source(%arg5 : memref<10240xf32, #tpu.memory_space<vmem>>) target(%dma_start3A_21 : memref<10240xf32, #tpu.memory_space<hbm>>) target_semaphore(%run_scoped3A : memref<!tpu.dma_semaphore, #tpu.memory_space<semaphore_mem>>)
      %dma_wait3A = arith.constant 0 : i32
      %dma_wait3A_22 = tpu.memref_slice %arg3[%add3A, %dma_wait3A] : memref<32x10240xf32, #tpu.memory_space<hbm>> -> memref<1x10240xf32, #tpu.memory_space<hbm>>
      %dma_wait3A_23 = tpu.memref_squeeze %dma_wait3A_22 : memref<1x10240xf32, #tpu.memory_space<hbm>> -> memref<10240xf32, #tpu.memory_space<hbm>>
      %dma_wait3A_24 = arith.constant 0 : i32
      %dma_wait3A_25 = tpu.memref_slice %arg3[%add3A, %dma_wait3A_24] : memref<32x10240xf32, #tpu.memory_space<hbm>> -> memref<1x10240xf32, #tpu.memory_space<hbm>>
      %dma_wait3A_26 = tpu.memref_squeeze %dma_wait3A_25 : memref<1x10240xf32, #tpu.memory_space<hbm>> -> memref<10240xf32, #tpu.memory_space<hbm>>
      tpu.wait_dma2 semaphore(%run_scoped3A : memref<!tpu.dma_semaphore, #tpu.memory_space<semaphore_mem>>) src(%arg5 : memref<10240xf32, #tpu.memory_space<vmem>>) dst(%dma_wait3A_26 : memref<10240xf32, #tpu.memory_space<hbm>>)
      tpu.yield
    }) : () -> ()
    return
  }
}

</mosaic_0001>

<sc_bundles>
// kernel: _deg.3.cloned.1.call-start
scs
__scs_entry_jumppad:
0x0: {  	(pc) =	sbr.rel $0x88, $3  }
0x1: {  	(tag) =	ssettag $0x0;
	lr =	simm.s32 $0x1  }
0x2: {  	[smem:$0x3FA0] =	sst lr;
	_ =	strace $0xD0000000  }
0x3: {  	_ = 	snop  }
0x4: {  	_ = 	snop  }
0x5: {  	_ = 	snop  }
0x6: {  	_ = 	snop  }
0x7: {  	_ = 	snop  }
__scs_overlays_trampoline_lowered:
0x8: {  	[smem:$0x3FAF] =	sst s0  }
0x9: {  	[smem:$0x3FB0] =	sst s1  }
0xa: {  	[smem:$0x3FB1] =	sst s2  }
0xb: {  	[smem:$0x3FB2] =	sst s3  }
0xc: {  	[smem:$0x3FB3] =	sst s4  }
0xd: {  	[smem:$0x3FB4] =	sst s5  }
0xe: {  	[smem:$0x3FB5] =	sst s6  }
0xf: {  	[smem:$0x3FB6] =	sst s7  }
0x10: {  	[smem:$0x3FB7] =	sst s8  }
0x11: {  	[smem:$0x3FB8] =	sst s9;
	s0 =	simm.s32 @!p0 $0x0  }
0x12: {  	s1 =	sld [smem:$0x3F9E];
	s0 =	simm.s32 @p0 $0x1  }
0x13: {  	[smem:$0x3FB9] =	sst s0;
	s0 =	simm.s32 @!p1 $0x0  }
0x14: {  	s2 =	sld [smem:$0x3F9D];
	s0 =	simm.s32 @p1 $0x1  }
0x15: {  	[smem:$0x3FBA] =	sst s0;
	s0 =	simm.s32 @!p2 $0x0  }
0x16: {  	s3 =	sld [smem:$0x3FDB];
	s0 =	simm.s32 @p2 $0x1  }
0x17: {  	s4 =	simm.s32 $0x1BF5;
	[smem:$0x3FBC] =	sst s0  }
0x18: {  	s0 =	sld [smem:$0x3F9F];
	_ =	swait.ge [sflag:s4], $0x0  }
0x19: {  	s7 =	sld [smem:$0x3FA0]  }
0x1a: {  	s8 =	sadd.s32 $0xFFFFE003, lr  }
0x1b: {  	s9 =	sadd.s32 $0xFFFFFEF7, lr;
	s5 =	simm.s32 $0xFFFFFFFF;
	p2 =	slt.u32 s8, $0xFFFFF086  }
0x1c: {  	p1 =	slt.u32 s9, $0xF7A;
	s5 =	simm.s32 @!p2 $0x0  }
0x1d: {  	s5 =	simm.s32 @p1 $0x1;
	p0 =	seq.s32 s7, s2  }
0x1e: {  	s7 =	smul.u32 @!p0 $0xF7A, s2;
	p2 =	seq.s32 @!p0 s5, $0x0  }
0x1f: {  	s9 =	smul.u32 $0xF7A, s1;
	s8 =	simm.s32 @!p0 $0x1BF5;
	p2 =	por !p2, p0  }
0x20: {  	[sflag:s8] =	ssyncset.s32 @!p0 $0xFFFFF086;
	s6 =	sadd.s32 @!p0 s3, s7;
	s7 =	simm.s32 @!p0 $0x108  }
0x21: {  	s3 =	sadd.s32 s3, s9;
	s6 =	sadd.s32 @!p0 $0x88, s6;
	s7 =	simm.s32 @p2 $0x1082  }
0x22: {  	[simem:s7], [sflag:s8] =	dma.local @!p0 [hbm:s6], $0xF7A  }
0x23: {  	s9 =	sor.u32 $0xD0000000, s2;
	s6 =	simm.s32 $0x108;
	_ =	swait.ge @!p0 [sflag:s8], $0x0  }
0x24: {  	s3 =	sadd.s32 $0x88, s3;
	s6 =	simm.s32 @!p1 $0x1082;
	[sflag:s4] =	ssyncset.s32 $0xFFFFF086  }
0x25: {  	[simem:s6], [sflag:s4] =	dma.local [hbm:s3], $0xF7A  }
0x26: {  	[smem:$0x3FA0] =	sst s1;
	(tag) =	ssettag s2;
	_ =	strace s9  }
0x27: {  	s1 =	sld [smem:$0x3FB0]  }
0x28: {  	s2 =	sld [smem:$0x3FB1]  }
0x29: {  	s4 =	sld [smem:$0x3FB3]  }
0x2a: {  	p0 =	seq.s32 s5, $0x0;
	s5 =	sld [smem:$0x3FB4]  }
0x2b: {  	s6 =	sld [smem:$0x3FB5]  }
0x2c: {  	s7 =	sld [smem:$0x3FB6]  }
0x2d: {  	s3 =	simm.s32 $0x108;
	s8 =	sld [smem:$0x3FB7]  }
0x2e: {  	s3 =	simm.s32 @!p0 $0x1082;
	s9 =	sld [smem:$0x3FB8]  }
0x2f: {  	lr =	sadd.s32 s0, s3;
	s0 =	sld [smem:$0x3FAF]  }
0x30: {  	s3 =	sld [smem:$0x3FB2]  }
0x31: {  	[smem:$0x3FBB] =	sst s10  }
0x32: {  	s10 =	sld [smem:$0x3FB9];
	_ =	sdelay $0x3  }
0x33: {  	p0 =	seq.s32 s10, $0x1;
	s10 =	sld [smem:$0x3FBB];
	_ =	sdelay $0x3  }
0x34: {  	[smem:$0x3FBB] =	sst s10  }
0x35: {  	s10 =	sld [smem:$0x3FBA];
	_ =	sdelay $0x3  }
0x36: {  	p1 =	seq.s32 s10, $0x1;
	s10 =	sld [smem:$0x3FBB];
	_ =	sdelay $0x3  }
0x37: {  	[smem:$0x3FBB] =	sst s10  }
0x38: {  	s10 =	sld [smem:$0x3FBC]  }
0x39: {  	_ = 	snop;
	(pc) =	sbr.ind lr, $3  }
0x3a: {  	_ = 	snop  }
0x3b: {  	_ = 	snop  }
0x3c: {  	p2 =	seq.s32 s10, $0x1;
	s10 =	sld [smem:$0x3FBB]  }
0x3d: {  	_ =	shalt  }
0x3e: {  	_ =	shalt  }
0x3f: {  	_ =	shalt  }
0x40: {  	_ =	shalt  }
0x41: {  	_ =	shalt  }
0x42: {  	_ =	shalt  }
0x43: {  	_ =	shalt  }
0x44: {  	_ =	shalt  }
0x45: {  	_ =	shalt  }
0x46: {  	_ =	shalt  }
0x47: {  	_ =	shalt  }
0x48: {  	_ =	shalt  }
0x49: {  	_ =	shalt  }
0x4a: {  	_ =	shalt  }
0x4b: {  	_ =	shalt  }
0x4c: {  	_ =	shalt  }
0x4d: {  	_ =	shalt  }
0x4e: {  	_ =	shalt  }
0x4f: {  	_ =	shalt  }
0x50: {  	_ =	shalt  }
0x51: {  	_ =	shalt  }
0x52: {  	_ =	shalt  }
0x53: {  	_ =	shalt  }
0x54: {  	_ =	shalt  }
0x55: {  	_ =	shalt  }
0x56: {  	_ =	shalt  }
0x57: {  	_ =	shalt  }
0x58: {  	_ =	shalt  }
0x59: {  	_ =	shalt  }
0x5a: {  	_ =	shalt  }
0x5b: {  	_ =	shalt  }
0x5c: {  	_ =	shalt  }
0x5d: {  	_ =	shalt  }
0x5e: {  	_ =	shalt  }
0x5f: {  	_ =	shalt  }
0x60: {  	_ =	shalt  }
0x61: {  	_ =	shalt  }
0x62: {  	_ =	shalt  }
0x63: {  	_ =	shalt  }
0x64: {  	_ =	shalt  }
0x65: {  	_ =	shalt  }
0x66: {  	_ =	shalt  }
0x67: {  	_ =	shalt  }
0x68: {  	_ =	shalt  }
0x69: {  	_ =	shalt  }
0x6a: {  	_ =	shalt  }
0x6b: {  	_ =	shalt  }
0x6c: {  	_ =	shalt  }
0x6d: {  	_ =	shalt  }
0x6e: {  	_ =	shalt  }
0x6f: {  	_ =	shalt  }
0x70: {  	_ =	shalt  }
0x71: {  	_ =	shalt  }
0x72: {  	_ =	shalt  }
0x73: {  	_ =	shalt  }
0x74: {  	_ =	shalt  }
0x75: {  	_ =	shalt  }
0x76: {  	_ =	shalt  }
0x77: {  	_ =	shalt  }
0x78: {  	_ =	shalt  }
0x79: {  	_ =	shalt  }
0x7a: {  	_ =	shalt  }
0x7b: {  	_ =	shalt  }
0x7c: {  	_ =	shalt  }
0x7d: {  	_ =	shalt  }
0x7e: {  	_ =	shalt  }
0x7f: {  	_ =	shalt  }
0x80: {  	_ =	shalt  }
0x81: {  	_ =	shalt  }
0x82: {  	_ =	shalt  }
0x83: {  	_ =	shalt  }
0x84: {  	_ =	shalt  }
0x85: {  	_ =	shalt  }
0x86: {  	_ =	shalt  }
0x87: {  	_ =	shalt  }
.Lfunc_end0:
.L_simem_size_0:
called_computation_lowered:
.L_overlay_start_0:
0x88: {  	s2 =	sld [smem:$0x3FD9]  }
0x89: {  	s3 =	sld [smem:$0x3FFE];
	_ =	sdelay $0x1  }
0x8a: {  	s1 =	srdreg.scid  }
0x8b: {  	s0 =	sand.u32 $0x1, s1  }
0x8c: {  	s18 =	sshll.u32 s0, $0xA;
	s2 =	sadd.s32 s3, s2  }
0x8d: {  	s2 =	sadd.s32 s2, s18  }
0x8e: {  	[smem:$0x3FC7] =	sst s2  }
0x8f: {  	_ = 	snop  }
0x90: {  	s2 =	sld [smem:$0x3FC9]  }
0x91: {  	s19 =	sld [smem:$0x3FD0];
	(tm) =	ssettm $0x1  }
0x92: {  	s4 =	sld [smem:$0x3FFB];
	_ =	sdelay $0x3  }
0x93: {  	_ =	strace s4  }
0x94: {  	s4 =	sld [smem:$0x3FFC];
	_ =	sdelay $0x3  }
0x95: {  	_ =	strace s4  }
0x96: {  	s4 =	sld [smem:$0x3FFD];
	_ =	sdelay $0x3  }
0x97: {  	_ =	strace s4  }
0x98: {  	_ =	strace $0x8FFFFFFF  }
0x99: {  	s20 =	sld [smem:$0x3FDB];
	_ =	sdelay $0x1  }
0x9a: {  	s5 =	simm.s32 $_scs_section_size  }
0x9b: {  	s6 =	simm.s32 $_size__tile_overlayer_lowered;
	s7 =	simm.s32 $_tile_overlayer_lowered  }
0x9c: {  	s23 =	simm.s32 $0x1BFF;
	s22 =	sshll.u32 s7, $0x1;
	s4 =	sadd.s32 s5, s20  }
0x9d: {  	s8 =	simm.s32 $0x0;
	s21 =	sshll.u32 s6, $0x1;
	s6 =	sadd.s32 s22, s4  }
0x9e: {  	[timem:s8], [sflag:s23] =	dma.local [hbm:s6], s21  }
0x9f: {  	_ =	swait.ge [sflag:s23], s21  }
0xa0: {  	s5 =	ssub.s32 $0x0, s21;
	[sflag:s23] =	ssyncset.done $0x0  }
0xa1: {  	[sflag:s23] =	ssyncadd.s32 s5;
	_ =	sdelay $0x1  }
0xa2: {  	s24 =	simm.s32 $0x1B8B  }
0xa3: {  	_ =	swait.ge [sflag:s24], $0x1  }
0xa4: {  	[sflag:s24] =	ssyncset.done $0x0  }
0xa5: {  	s25 =	simm.s32 $0x1B8E;
	[sflag:s24] =	ssyncadd.s32 $0xFFFFFFFF  }
0xa6: {  	s26 =	simm.s32 $execute0_lowered;
	[smem:$0x3FD2] =	sst s25  }
0xa7: {  	s5 =	sshll.u32 s26, $0x1;
	_ =	strace $0x80000046;
	[dreg:$0x1] =	wrdreg $0xFFFFFFFF  }
0xa8: {  	s28 =	simm.s32 $_size_execute0_lowered;
	s4 =	sadd.s32 s4, s5;
	[dreg:$0x0] =	wrdreg $0x0  }
0xa9: {  	s5 =	sshll.u32 s28, $0x1;
	[dreg:$0x2] =	wrdreg s4  }
0xaa: {  	[dreg:$0x3] =	wrdreg s5  }
0xab: {  	[dreg:$0x4] =	wrdreg $0xC0  }
0xac: {  	_ =	task [dreg:s8], $0x5FFFF  }
0xad: {  	[dreg:$0x1] =	wrdreg $0xFFFFFFFF  }
0xae: {  	[dreg:$0x0] =	wrdreg $0x60  }
0xaf: {  	[dreg:$0x2] =	wrdreg s2  }
0xb0: {  	[dreg:$0x3] =	wrdreg s19  }
0xb1: {  	[dreg:$0x4] =	wrdreg $0x9  }
0xb2: {  	_ =	task.clear_ibuf [dreg:s8], $0x5FFFF;
	_ =	strace $0x90000046  }
0xb3: {  	s29 =	simm.s32 $0x9;
	_ =	strace $0x80000048  }
0xb4: {  	_ =	swait.ge [sflag:s29], $0x1  }
0xb5: {  	[sflag:s29] =	ssyncadd.s32 $0xFFFFFFFF  }
0xb6: {  	_ =	strace $0x90000048  }
0xb7: {  	_ =	sfence  }
0xb8: {  	s30 =	sld [smem:$0x0];
	_ =	sdelay $0x2  }
0xb9: {  	s31 =	sshll.u32 s1, $0xD;
	s1 =	sshrl.u32 s1, $0x2  }
0xba: {  	s3 =	sand.u32 $0x4000, s31;
	s1 =	sadd.s32 s1, s30  }
0xbb: {  	s0 =	sor.u32 s3, s0;
	s1 =	sshll.u32 s1, $0x11  }
0xbc: {  	s0 =	sor.u32 s1, s0  }
0xbd: {  	s0 =	sadd.s32 $0x8F2B, s0  }
0xbe: {  	[sflag:s0] =	ssyncadd.remote.s32 $0x1  }
0xbf: {  	_ =	sfence.sel $0xFFFF  }
0xc0: {  	[dreg:$0x0] =	wrdreg $0xFFFFFFFF;
	(pc) =	sbr.abs _section_cstart, $3  }
0xc1: {  	[dreg:$0x1] =	wrdreg $0xFFFFFFFF  }
0xc2: {  	_ =	task.clear_ibuf [dreg:s8], $0x2FFFF;
	_ =	strace $0x9FFFFFFF  }
0xc3: {  	(tm) =	ssettm $0x7FFFFFFF  }
tec
execute0_lowered:
.L_overlay_start_1:
0x0: {  	(tag) =	ssettag $0x1  }
0x1: {  	s4 =	rddreg [dreg:$0x0]  }
0x2: {  	s0 =	srdreg.scid;
	s5 =	rddreg [dreg:$0x1]  }
0x3: {  	s2 =	simm.s32 $0x0;
	s10 =	simm.s32 $0x1;
	s3 =	sand.u32 $0x1, s0  }
0x4: {  	s11 =	simm.s32 $0x800;
	s0 =	stileid.u32;
	s1 =	sshll.u32 s3, $0x4  }
0x5: {  	s12 =	simm.s32 $0x80;
	s13 =	simm.s32 $0x400;
	s6 =	sor.u32 s0, s1  }
0x6: {  	[smem:$0x7FF] =	sst s2;
	s7 =	sshrl.u32 s6, $0x3;
	s6 =	smul.u32 $0x2710, s6  }
0x7: {  	s8 =	sshll.u32 s0, $0x7;
	s3 =	ssub.s32 $0x2, s3;
	s7 =	smul.u32 $0x14000, s7  }
0x8: {  	s1 =	rddreg [dreg:$0x2];
	s8 =	sand.u32 $0x380, s8;
	_ =	strace $0x80000047  }
0x9: {  	s31 =	sshrl.u32 s3, $0x1;
	s6 =	sshrl.u32 s6, $0x3;
	s7 =	sor.u32 s8, s7  }
0xa: {  	s8 =	ssub.s32 s3, s31;
	s4 =	sadd.s32 s4, s6;
	s7 =	sshrl.u32 s7, $0x3  }
0xb: {  	s6 =	sadd.s32 $0xFA, s4;
	s9 =	sadd.s32 $0x3E8, s4;
	s3 =	sadd.s32 s5, s7  }
0xc: {  	v0 =	vimm.f32 $0.0e+00;
	v1 =	vimm.f32 $1.000000000e+00;
	s5 =	smax.u32 s8, $0x1;
	s7 =	sadd.s32 $0x1F4, s4;
	s8 =	sadd.s32 $0x2EE, s4  }
.LBB2_1:
0xd: {  	s14 =	simm.s32 $0x40;
	s15 =	simm.s32 $0x0  }
.LBB2_2:
0xe: {  	p0 =	sne.s32 s14, $0x9FC0;
	[tilespmem:s15+$0x800] =	vst v0;
	s15 =	smov.u32 s14;
	s14 =	sadd.s32 $0x40, s14  }
.Ltmp0:
0xf: {  	(pc) =	sbr.rel @p0 .LBB2_2-.Ltmp0, $2  }
0x10: {  	_ =	sdelay $0x2  }
0x11: {  	s15 =	sshra.s32 s15, $0x2  }
0x12: {  	[tilespmem:s15+$0x800] =	vst v0;
	s14 =	simm.s32 $0x0  }
0x13: {  	[tilespmem:s14], [sflag:$0x1] =	stream.linear.gather [hbm4b:s4+s14], $0x7D0, $0x38;
	[tilespmem:$0x3000] =	vst v63  }
0x14: {  	_ =	swait.ge [sflag:s10], $0x7D0  }
0x15: {  	[sflag:s10] =	ssyncset.done $0x0  }
0x16: {  	s15 =	simm.s32 $0x0;
	s14 =	simm.s32 $0x40;
	[sflag:s10] =	ssyncadd.s32 $0xFFFFF830  }
.LBB2_4:
0x17: {  	p0 =	sne.s32 s14, $0x1F00;
	v2 =	vld [tilespmem:s15+$0x0];
	_ =	sdelay $0x3  }
.Ltmp1:
0x18: {  	(pc) =	sbr.rel @p0 .LBB2_4-.Ltmp1, $2  }
0x19: {  	_ =	sdelay $0x2  }
0x1a: {  	s15 =	sshra.s32 s14, $0x2;
	s14 =	sadd.s32 $0x40, s14;
	[tilespmem:v2+s11+$0x0] =	vst.idx.add.f32.msk $0xffff, v1  }
0x1b: {  	v2 =	vld [tilespmem:s15+$0x0];
	_ =	sdelay $0x7  }
0x1c: {  	s14 =	simm.s32 $0x0;
	[tilespmem:v2+s11+$0x0] =	vst.idx.add.f32.msk $0xffff, v1  }
0x1d: {  	[tilespmem:s14], [sflag:$0x1] =	stream.linear.gather [hbm4b:s6+s14], $0x7D0, $0x38;
	[tilespmem:$0x3000] =	vst v63  }
0x1e: {  	_ =	swait.ge [sflag:s10], $0x7D0  }
0x1f: {  	[sflag:s10] =	ssyncset.done $0x0  }
0x20: {  	s15 =	simm.s32 $0x0;
	s14 =	simm.s32 $0x40;
	[sflag:s10] =	ssyncadd.s32 $0xFFFFF830  }
.LBB2_6:
0x21: {  	p0 =	sne.s32 s14, $0x1F00;
	v2 =	vld [tilespmem:s15+$0x0];
	_ =	sdelay $0x3  }
.Ltmp2:
0x22: {  	(pc) =	sbr.rel @p0 .LBB2_6-.Ltmp2, $2  }
0x23: {  	_ =	sdelay $0x2  }
0x24: {  	s15 =	sshra.s32 s14, $0x2;
	s14 =	sadd.s32 $0x40, s14;
	[tilespmem:v2+s11+$0x0] =	vst.idx.add.f32.msk $0xffff, v1  }
0x25: {  	v2 =	vld [tilespmem:s15+$0x0];
	_ =	sdelay $0x7  }
0x26: {  	s14 =	simm.s32 $0x0;
	[tilespmem:v2+s11+$0x0] =	vst.idx.add.f32.msk $0xffff, v1  }
0x27: {  	[tilespmem:s14], [sflag:$0x1] =	stream.linear.gather [hbm4b:s7+s14], $0x7D0, $0x38;
	[tilespmem:$0x3000] =	vst v63  }
0x28: {  	_ =	swait.ge [sflag:s10], $0x7D0  }
0x29: {  	[sflag:s10] =	ssyncset.done $0x0  }
0x2a: {  	s15 =	simm.s32 $0x0;
	s14 =	simm.s32 $0x40;
	[sflag:s10] =	ssyncadd.s32 $0xFFFFF830  }
.LBB2_8:
0x2b: {  	p0 =	sne.s32 s14, $0x1F00;
	v2 =	vld [tilespmem:s15+$0x0];
	_ =	sdelay $0x3  }
.Ltmp3:
0x2c: {  	(pc) =	sbr.rel @p0 .LBB2_8-.Ltmp3, $2  }
0x2d: {  	_ =	sdelay $0x2  }
0x2e: {  	s15 =	sshra.s32 s14, $0x2;
	s14 =	sadd.s32 $0x40, s14;
	[tilespmem:v2+s11+$0x0] =	vst.idx.add.f32.msk $0xffff, v1  }
0x2f: {  	v2 =	vld [tilespmem:s15+$0x0];
	_ =	sdelay $0x7  }
0x30: {  	s14 =	simm.s32 $0x0;
	[tilespmem:v2+s11+$0x0] =	vst.idx.add.f32.msk $0xffff, v1  }
0x31: {  	[tilespmem:s14], [sflag:$0x1] =	stream.linear.gather [hbm4b:s8+s14], $0x7D0, $0x38;
	[tilespmem:$0x3000] =	vst v63  }
0x32: {  	_ =	swait.ge [sflag:s10], $0x7D0  }
0x33: {  	[sflag:s10] =	ssyncset.done $0x0  }
0x34: {  	s15 =	simm.s32 $0x0;
	s14 =	simm.s32 $0x40;
	[sflag:s10] =	ssyncadd.s32 $0xFFFFF830  }
.LBB2_10:
0x35: {  	p0 =	sne.s32 s14, $0x1F00;
	v2 =	vld [tilespmem:s15+$0x0];
	_ =	sdelay $0x3  }
.Ltmp4:
0x36: {  	(pc) =	sbr.rel @p0 .LBB2_10-.Ltmp4, $2  }
0x37: {  	_ =	sdelay $0x2  }
0x38: {  	s15 =	sshra.s32 s14, $0x2;
	s14 =	sadd.s32 $0x40, s14;
	[tilespmem:v2+s11+$0x0] =	vst.idx.add.f32.msk $0xffff, v1  }
0x39: {  	v2 =	vld [tilespmem:s15+$0x0];
	_ =	sdelay $0x7  }
0x3a: {  	s14 =	simm.s32 $0x0;
	[tilespmem:v2+s11+$0x0] =	vst.idx.add.f32.msk $0xffff, v1  }
0x3b: {  	[tilespmem:s14], [sflag:$0x1] =	stream.linear.gather [hbm4b:s9+s14], $0x7D0, $0x38;
	[tilespmem:$0x3000] =	vst v63  }
0x3c: {  	_ =	swait.ge [sflag:s10], $0x7D0  }
0x3d: {  	[sflag:s10] =	ssyncset.done $0x0  }
0x3e: {  	s15 =	simm.s32 $0x0;
	s14 =	simm.s32 $0x40;
	[sflag:s10] =	ssyncadd.s32 $0xFFFFF830  }
.LBB2_12:
0x3f: {  	p0 =	sne.s32 s14, $0x1F00;
	v2 =	vld [tilespmem:s15+$0x0];
	_ =	sdelay $0x3  }
.Ltmp5:
0x40: {  	(pc) =	sbr.rel @p0 .LBB2_12-.Ltmp5, $2  }
0x41: {  	_ =	sdelay $0x2  }
0x42: {  	s15 =	sshra.s32 s14, $0x2;
	s14 =	sadd.s32 $0x40, s14;
	[tilespmem:v2+s11+$0x0] =	vst.idx.add.f32.msk $0xffff, v1  }
0x43: {  	v2 =	vld [tilespmem:s15+$0x0];
	_ =	sdelay $0x5  }
0x44: {  	s2 =	sadd.s32 $0x1, s2  }
0x45: {  	p0 =	sne.s32 s2, s5  }
.Ltmp6:
0x46: {  	[tilespmem:v2+s11+$0x0] =	vst.idx.add.f32.msk $0xffff, v1;
	(pc) =	sbr.rel @p0 .LBB2_1-.Ltmp6, $4  }
0x47: {  	[hbm4b:s3+s12] =	stream.strided.scatter [tilespmem:s11], [sflag:$0x1], $0x2800, s13, s12, $0x38;
	[tilespmem:$0x3000] =	vst v63  }
0x48: {  	_ =	swait.ge [sflag:s10], $0x2800  }
0x49: {  	[sflag:s10] =	ssyncset.done $0x0  }
0x4a: {  	[sflag:s10] =	ssyncadd.s32 $0xFFFFD800  }
0x4b: {  	_ =	sfence.sel $0x180000  }
0x4c: {  	[bflag:$0x0] =	sbarrier.arrive $0xFFFF  }
0x4d: {  	p0 =	sne.s32 s0, $0x0;
	_ =	strace $0x90000047  }
0x4e: {  	s0 =	sadd.s32 @!p0 $0x100000, s1;
	[bflag:$0x2] =	sbarrier.arrive $0xFFFF  }
0x4f: {  	[sflag:s0] =	ssyncadd.tile.s32 @!p0 $0x1;
	_ =	shalt  }
.Lfunc_end2:
_tile_overlayer_lowered:
.L_overlay_start_2:
0x50: {  	(tag) =	ssettag $0x2  }
0x51: {  	s0 =	rddreg [dreg:$0x0];
	s2 =	stileid.u32  }
0x52: {  	s1 =	rddreg [dreg:$0x1];
	p0 =	sne.s32 s2, $0x0  }
0x53: {  	s3 =	rddreg [dreg:$0x2];
	[bflag:$0x3] =	sbarrier.arrive $0xFFFF;
	s2 =	simm.s32 @!p0 $0x1C01  }
0x54: {  	[timem:s3], [sflag:s2] =	dma.local @!p0 [hbm:s0], s1  }
0x55: {  	s0 =	simm.s32 @!p0 $0x1  }
0x56: {  	_ =	swait.ge @!p0 [sflag:s0], s1  }
0x57: {  	s1 =	ssub.s32 @!p0 $0x0, s1;
	[sflag:s0] =	ssyncset.done @!p0 $0x0  }
0x58: {  	[sflag:s0] =	ssyncadd.s32 @!p0 s1  }
0x59: {  	[bflag:$0x3] =	sbarrier.arrive $0xFFFF  }
0x5a: {  	_ =	shalt  }

</sc_bundles>
